<compile_context>
chip_gen: v7x
topology: tpu7x:2x2x1
jax: 0.10.2.dev20260603
libtpu: 0.0.44.dev20260713+nightly
codegen_flags: <defaults>
</compile_context>

<pallas_src>
import functools

import jax
import jax.numpy as jnp
from jax import lax
from jax.experimental import pallas as pl
from jax.experimental.pallas import tpu as pltpu
from jax.experimental.pallas import tpu_sc as plsc

_N_CODES = 8192
_DIM = 256
_N_TOK = 2048
_CODE_BLK = 512
_N_CODE_BLK = _N_CODES // _CODE_BLK
_TOK_BLK = 256
_N_TOK_BLK = _N_TOK // _TOK_BLK
_COMMIT = 0.25


def _argmin_body(z_ref, zs_ref, cs_ref, cb_ref, idx_ref, min_ref):
    j = pl.program_id(0)
    mm = lax.dot_general(
        z_ref[...], cb_ref[...], (((1,), (1,)), ((), ())),
        preferred_element_type=jnp.float32)
    c_blk = cs_ref[0, pl.ds(j * _CODE_BLK, _CODE_BLK)]
    d = (zs_ref[...] + c_blk) - 2.0 * mm
    rowmin = jnp.min(d, axis=1, keepdims=True)
    cols = lax.broadcasted_iota(jnp.int32, d.shape, 1)
    local = jnp.min(jnp.where(d == rowmin, cols, jnp.int32(1 << 30)),
                    axis=1, keepdims=True)
    gidx = local + j * _CODE_BLK

    @pl.when(j == 0)
    def _init():
        min_ref[...] = rowmin
        idx_ref[...] = gidx

    @pl.when(j > 0)
    def _update():
        better = rowmin < min_ref[...]
        idx_ref[...] = jnp.where(better, gidx, idx_ref[...])
        min_ref[...] = jnp.where(better, rowmin, min_ref[...])


def _argmin_call():
    def cb_map(j):
        return (j, 0)

    return pl.pallas_call(
        _argmin_body,
        grid=(_N_CODE_BLK,),
        in_specs=[
            pl.BlockSpec((_N_TOK, _DIM), lambda j: (0, 0)),
            pl.BlockSpec((_N_TOK, 1), lambda j: (0, 0)),
            pl.BlockSpec((1, _N_CODES), lambda j: (0, 0)),
            pl.BlockSpec((_CODE_BLK, _DIM), cb_map),
        ],
        out_specs=pl.BlockSpec((_N_TOK, 1), lambda j: (0, 0)),
        out_shape=jax.ShapeDtypeStruct((_N_TOK, 1), jnp.int32),
        scratch_shapes=[pltpu.VMEM((_N_TOK, 1), jnp.float32)],
        compiler_params=pltpu.CompilerParams(
            dimension_semantics=("arbitrary",)),
    )


def _make_sc_gather():
    info = plsc.get_sparse_core_info()
    nc, ns = info.num_cores, info.num_subcores
    nw = nc * ns
    b_per_w = _N_TOK // nw
    mesh = plsc.VectorSubcoreMesh(core_axis_name="c", subcore_axis_name="s")

    @functools.partial(
        pl.kernel, mesh=mesh,
        out_type=jax.ShapeDtypeStruct((_N_TOK, _DIM), jnp.float32),
        scratch_types=[
            pltpu.VMEM((b_per_w,), jnp.int32),
            pltpu.VMEM((b_per_w, _DIM), jnp.float32),
            pltpu.SemaphoreType.DMA,
        ],
    )
    def gather_k(table_hbm, idx_hbm, out_hbm, idx_v, rows_v, sem):
        wid = lax.axis_index("s") * nc + lax.axis_index("c")
        base = wid * b_per_w
        pltpu.sync_copy(idx_hbm.at[pl.ds(base, b_per_w)], idx_v)
        pltpu.async_copy(table_hbm.at[idx_v], rows_v, sem).wait()
        pltpu.sync_copy(rows_v, out_hbm.at[pl.ds(base, b_per_w)])

    return gather_k


def _finalize_body(z_ref, q_ref, idxb_ref, idxall_ref,
                   qout_ref, loss_ref, perp_ref):
    t = pl.program_id(0)
    z = z_ref[...]
    q = q_ref[...]
    zn = z / jnp.maximum(
        jnp.sqrt(jnp.sum(z * z, axis=1, keepdims=True)), 1e-12)
    qn = q / jnp.maximum(
        jnp.sqrt(jnp.sum(q * q, axis=1, keepdims=True)), 1e-12)
    v = zn - qn
    vnorm = jnp.sqrt(jnp.sum(v * v, axis=1, keepdims=True))
    mask = (vnorm > 1e-5).astype(jnp.float32)
    v = mask * v / (vnorm + 1e-8) + (1.0 - mask) * v
    vz = jnp.sum(v * z, axis=1, keepdims=True)
    rot = z - 2.0 * v * vz
    qout_ref[...] = rot
    loss_part = jnp.sum((rot - z) ** 2)

    myidx = idxb_ref[0, 0, :]
    counts = jnp.zeros((_TOK_BLK,), jnp.float32)
    for r in range(_N_TOK_BLK):
        row = idxall_ref[r, 0, :]
        eq = (myidx[:, None] == row[None, :]).astype(jnp.float32)
        counts = counts + jnp.sum(eq, axis=1)
    ent_part = jnp.sum(
        jnp.log(counts * (1.0 / _N_TOK) + 1e-10)) * (1.0 / _N_TOK)

    @pl.when(t == 0)
    def _init():
        loss_ref[0, 0] = 0.0
        perp_ref[0, 0] = 0.0

    loss_ref[0, 0] += loss_part
    perp_ref[0, 0] += ent_part

    @pl.when(t == _N_TOK_BLK - 1)
    def _fin():
        loss_ref[0, 0] = loss_ref[0, 0] * (
            (1.0 + _COMMIT) / (_N_TOK * _DIM))
        perp_ref[0, 0] = jnp.exp(-perp_ref[0, 0])


def _finalize_call(z, quant, idx3):
    return pl.pallas_call(
        _finalize_body,
        grid=(_N_TOK_BLK,),
        in_specs=[
            pl.BlockSpec((_TOK_BLK, _DIM), lambda t: (t, 0)),
            pl.BlockSpec((_TOK_BLK, _DIM), lambda t: (t, 0)),
            pl.BlockSpec((1, 1, _TOK_BLK), lambda t: (t, 0, 0)),
            pl.BlockSpec((_N_TOK_BLK, 1, _TOK_BLK), lambda t: (0, 0, 0)),
        ],
        out_specs=[
            pl.BlockSpec((_TOK_BLK, _DIM), lambda t: (t, 0)),
            pl.BlockSpec((1, 1), lambda t: (0, 0), memory_space=pltpu.SMEM),
            pl.BlockSpec((1, 1), lambda t: (0, 0), memory_space=pltpu.SMEM),
        ],
        out_shape=[
            jax.ShapeDtypeStruct((_N_TOK, _DIM), jnp.float32),
            jax.ShapeDtypeStruct((1, 1), jnp.float32),
            jax.ShapeDtypeStruct((1, 1), jnp.float32),
        ],
        compiler_params=pltpu.CompilerParams(
            dimension_semantics=("arbitrary",)),
    )(z, quant, idx3, idx3)


def kernel(z_e, codebook):
    z = z_e.reshape(-1, _DIM)
    zs = jnp.sum(z ** 2, axis=1, keepdims=True)
    cs = jnp.sum(codebook ** 2, axis=1).reshape(1, _N_CODES)
    idx2d = _argmin_call()(z, zs, cs, codebook)
    idx = idx2d.reshape(_N_TOK)
    quant = _make_sc_gather()(codebook, idx)
    idx3 = idx.reshape(_N_TOK_BLK, 1, _TOK_BLK)
    q_out, loss, perp = _finalize_call(z, quant, idx3)
    return (q_out.reshape(z_e.shape), loss.reshape(()),
            perp.reshape(()), idx)

# --- scband reference (transcript-rebuilt; emitter-appended) ---
"""Pipeline reference for scband-vector-quantizer-23545010717034 (READ-ONLY COPY).

The authoritative reference and input builder live on the scoring server;
editing this copy changes nothing except your own understanding.
"""

import jax, jax.numpy as jnp
import numpy as np

NUM_EMBEDDINGS = 8192
EMBEDDING_DIM = 256
COMMITMENT_COST = 0.25


def _normalize(x, eps=1e-12):
    n = jnp.linalg.norm(x, axis=-1, keepdims=True)
    return x / jnp.maximum(n, eps)


def setup_inputs(seed: int = 0):
    key = jax.random.key(seed)
    k1, k2 = jax.random.split(key)
    z_e = jax.random.normal(k1, (2048, 256), dtype=jnp.float32)
    codebook = jax.random.uniform(k2, (NUM_EMBEDDINGS, EMBEDDING_DIM), minval=-1.0 / NUM_EMBEDDINGS, maxval=1.0 / NUM_EMBEDDINGS, dtype=jnp.float32)
    return {"z_e": z_e, "codebook": codebook}


def reference(z_e, codebook):
    D = EMBEDDING_DIM
    z_flat = z_e.reshape(-1, D)
    distances = (jnp.sum(z_flat ** 2, axis=1, keepdims=True)
                 + jnp.sum(codebook ** 2, axis=1)
                 - 2.0 * jnp.matmul(z_flat, codebook.T))
    encoding_indices = jnp.argmin(distances, axis=1)
    encodings = jax.nn.one_hot(encoding_indices, NUM_EMBEDDINGS, dtype=jnp.float32)
    quantized = jnp.take(codebook, encoding_indices, axis=0)
    # rotation matrix (Householder-style reflection aligning z_e with q)
    z_n = _normalize(z_flat)
    q_n = _normalize(quantized)
    v = z_n - q_n
    v_norm = jnp.linalg.norm(v, axis=-1, keepdims=True)
    mask = (v_norm > 1e-5).astype(jnp.float32)
    v = mask * v / (v_norm + 1e-8) + (1.0 - mask) * v
    I = jnp.eye(D, dtype=jnp.float32)
    R = I[None, :, :] - 2.0 * v[:, :, None] * v[:, None, :]
    rotated = jnp.einsum('nij,nj->ni', R, z_flat)
    q_out = rotated
    q_latent_loss = jnp.mean((jax.lax.stop_gradient(q_out) - z_flat) ** 2)
    e_latent_loss = jnp.mean((q_out - jax.lax.stop_gradient(z_flat)) ** 2)
    loss = q_latent_loss + COMMITMENT_COST * e_latent_loss
    # straight-through estimator
    q_out = z_flat + jax.lax.stop_gradient(q_out - z_flat)
    q_out = q_out.reshape(z_e.shape)
    avg_probs = jnp.mean(encodings, axis=0)
    perplexity = jnp.exp(-jnp.sum(avg_probs * jnp.log(avg_probs + 1e-10)))
    return (q_out, loss, perplexity, encoding_indices)

if __name__ == "__main__":
    import jax
    _d = setup_inputs()
    print(jax.jit(kernel)(*tuple(_d.values())))

</pallas_src>

<mosaic_0001>
#map = affine_map<(d0, d1) -> (0, 0)>
#map1 = affine_map<(d0, d1) -> (0)>
module attributes {stable_mosaic.version = 14 : i64} {
  func.func @gather_k(%arg0: i32, %arg1: i32, %arg2: memref<8192x256xf32, #tpu.memory_space<hbm>>, %arg3: memref<2048xi32, #tpu.memory_space<hbm>>, %arg4: memref<2048x256xf32, #tpu.memory_space<hbm>>, %arg5: memref<64xi32, #tpu.memory_space<vmem>>, %arg6: memref<64x256xf32, #tpu.memory_space<vmem>>, %arg7: memref<!tpu.dma_semaphore, #tpu.memory_space<semaphore_mem>>) attributes {dimension_semantics = [#tpu.dimension_semantics<core_parallel>, #tpu.dimension_semantics<subcore_parallel>], iteration_bounds = array<i64: 2, 16>, scalar_prefetch = 0 : i64, scratch_operands = 3 : i64, tpu.core_type = #tpu.core_type<sc_vector_subcore>, window_params = [{transform_indices = #map}, {transform_indices = #map1}, {transform_indices = #map}]} {
    %mul3A = arith.constant 2 : i32
    %mul3A_0 = arith.muli %arg1, %mul3A : i32
    %add3A = arith.addi %mul3A_0, %arg0 : i32
    %mul3A_1 = arith.constant 64 : i32
    %mul3A_2 = arith.muli %add3A, %mul3A_1 : i32
    "tpu.region"() ({
      %run_scoped3A = tpu.sem_alloc : memref<!tpu.dma_semaphore, #tpu.memory_space<semaphore_mem>>
      %dma_start3A_7 = tpu.memref_slice %arg3[%mul3A_2] : memref<2048xi32, #tpu.memory_space<hbm>> -> memref<64xi32, #tpu.memory_space<hbm>>
      %dma_start3A_8 = tpu.memref_slice %arg3[%mul3A_2] : memref<2048xi32, #tpu.memory_space<hbm>> -> memref<64xi32, #tpu.memory_space<hbm>>
      tpu.enqueue_dma source(%dma_start3A_8 : memref<64xi32, #tpu.memory_space<hbm>>) target(%arg5 : memref<64xi32, #tpu.memory_space<vmem>>) target_semaphore(%run_scoped3A : memref<!tpu.dma_semaphore, #tpu.memory_space<semaphore_mem>>)
      %dma_wait3A_9 = tpu.memref_slice %arg3[%mul3A_2] : memref<2048xi32, #tpu.memory_space<hbm>> -> memref<64xi32, #tpu.memory_space<hbm>>
      %dma_wait3A_10 = tpu.memref_slice %arg3[%mul3A_2] : memref<2048xi32, #tpu.memory_space<hbm>> -> memref<64xi32, #tpu.memory_space<hbm>>
      tpu.wait_dma2 semaphore(%run_scoped3A : memref<!tpu.dma_semaphore, #tpu.memory_space<semaphore_mem>>) src(%dma_wait3A_10 : memref<64xi32, #tpu.memory_space<hbm>>) dst(%arg5 : memref<64xi32, #tpu.memory_space<vmem>>)
      tpu.yield
    }) : () -> ()
    %dma_start3A = arith.constant 0 : i32
    %dma_start3A_3 = arith.constant 0 : i32
    %dma_start3A_4 = tpu.memref_slice %arg2[%dma_start3A, %dma_start3A_3] : memref<8192x256xf32, #tpu.memory_space<hbm>> -> memref<8192x256xf32, #tpu.memory_space<hbm>>
    tpu.enqueue_indirect_dma source(%dma_start3A_4 : memref<8192x256xf32, #tpu.memory_space<hbm>>) target(%arg6 : memref<64x256xf32, #tpu.memory_space<vmem>>) offsets(%arg5 : memref<64xi32, #tpu.memory_space<vmem>>) semaphore(%arg7 : memref<!tpu.dma_semaphore, #tpu.memory_space<semaphore_mem>>)
    %dma_wait3A = arith.constant 0 : i32
    %dma_wait3A_5 = arith.constant 0 : i32
    %dma_wait3A_6 = tpu.memref_slice %arg2[%dma_wait3A, %dma_wait3A_5] : memref<8192x256xf32, #tpu.memory_space<hbm>> -> memref<8192x256xf32, #tpu.memory_space<hbm>>
    tpu.wait_indirect_dma semaphore(%arg7 : memref<!tpu.dma_semaphore, #tpu.memory_space<semaphore_mem>>) src(%dma_wait3A_6 : memref<8192x256xf32, #tpu.memory_space<hbm>>) dst(%arg6 : memref<64x256xf32, #tpu.memory_space<vmem>>)
    "tpu.region"() ({
      %run_scoped3A = tpu.sem_alloc : memref<!tpu.dma_semaphore, #tpu.memory_space<semaphore_mem>>
      %dma_start3A_7 = arith.constant 0 : i32
      %dma_start3A_8 = tpu.memref_slice %arg4[%mul3A_2, %dma_start3A_7] : memref<2048x256xf32, #tpu.memory_space<hbm>> -> memref<64x256xf32, #tpu.memory_space<hbm>>
      %dma_start3A_9 = arith.constant 0 : i32
      %dma_start3A_10 = tpu.memref_slice %arg4[%mul3A_2, %dma_start3A_9] : memref<2048x256xf32, #tpu.memory_space<hbm>> -> memref<64x256xf32, #tpu.memory_space<hbm>>
      tpu.enqueue_dma source(%arg6 : memref<64x256xf32, #tpu.memory_space<vmem>>) target(%dma_start3A_10 : memref<64x256xf32, #tpu.memory_space<hbm>>) target_semaphore(%run_scoped3A : memref<!tpu.dma_semaphore, #tpu.memory_space<semaphore_mem>>)
      %dma_wait3A_11 = arith.constant 0 : i32
      %dma_wait3A_12 = tpu.memref_slice %arg4[%mul3A_2, %dma_wait3A_11] : memref<2048x256xf32, #tpu.memory_space<hbm>> -> memref<64x256xf32, #tpu.memory_space<hbm>>
      %dma_wait3A_13 = arith.constant 0 : i32
      %dma_wait3A_14 = tpu.memref_slice %arg4[%mul3A_2, %dma_wait3A_13] : memref<2048x256xf32, #tpu.memory_space<hbm>> -> memref<64x256xf32, #tpu.memory_space<hbm>>
      tpu.wait_dma2 semaphore(%run_scoped3A : memref<!tpu.dma_semaphore, #tpu.memory_space<semaphore_mem>>) src(%arg6 : memref<64x256xf32, #tpu.memory_space<vmem>>) dst(%dma_wait3A_14 : memref<64x256xf32, #tpu.memory_space<hbm>>)
      tpu.yield
    }) : () -> ()
    return
  }
}

module attributes {stable_mosaic.version = 14 : i64} {
  func.func @_argmin_body(%arg0: i32, %arg1: memref<2048x256xf32, #tpu.memory_space<vmem>>, %arg2: memref<2048x1xf32, #tpu.memory_space<vmem>>, %arg3: memref<1x8192xf32, #tpu.memory_space<vmem>>, %arg4: memref<512x256xf32, #tpu.memory_space<vmem>>, %arg5: memref<2048x1xi32, #tpu.memory_space<vmem>>, %arg6: memref<2048x1xf32, #tpu.memory_space<vmem>>) attributes {dimension_semantics = [#tpu.dimension_semantics<arbitrary>], iteration_bounds = array<i64: 16>, scalar_prefetch = 0 : i64, scratch_operands = 1 : i64, tpu.core_type = #tpu.core_type<tc>, window_params = [{pipeline_mode = #tpu.pipeline_mode<synchronous>, transform_indices = @transform_0, window_bounds = array<i64: 2048, 256>}, {pipeline_mode = #tpu.pipeline_mode<synchronous>, transform_indices = @transform_1, window_bounds = array<i64: 2048, 1>}, {pipeline_mode = #tpu.pipeline_mode<synchronous>, transform_indices = @transform_2, window_bounds = array<i64: 1, 8192>}, {transform_indices = @transform_3, window_bounds = array<i64: 512, 256>}, {pipeline_mode = #tpu.pipeline_mode<synchronous>, transform_indices = @transform_4, window_bounds = array<i64: 2048, 1>}]} {
    %get3A = arith.constant 0 : index
    %get3A_0 = arith.constant 0 : index
    %get3A_1 = vector.load %arg1[%get3A, %get3A_0] : memref<2048x256xf32, #tpu.memory_space<vmem>>, vector<2048x256xf32>
    %get3A_2 = arith.constant 0 : index
    %get3A_3 = arith.constant 0 : index
    %get3A_4 = vector.load %arg4[%get3A_2, %get3A_3] : memref<512x256xf32, #tpu.memory_space<vmem>>, vector<512x256xf32>
    %dot_general3A = arith.constant dense<0.000000e+00> : vector<2048x512xf32>
    %dot_general3A_5 = tpu.matmul %get3A_1, %get3A_4, %dot_general3A {dimension_numbers = #tpu.dot_dimension_numbers<[1], [1], [0], [0], [0, 0, 1, 0], [], []>, transpose_lhs_hint = false} : vector<2048x256xf32>, vector<512x256xf32>, vector<2048x512xf32> -> vector<2048x512xf32>
    %mul3A = arith.constant 512 : i32
    %mul3A_6 = arith.muli %arg0, %mul3A : i32
    %get3A_7 = arith.constant 0 : index
    %get3A_8 = arith.index_cast %mul3A_6 : i32 to index
    %get3A_9 = vector.load %arg3[%get3A_7, %get3A_8] : memref<1x8192xf32, #tpu.memory_space<vmem>>, vector<1x512xf32>
    %get3A_10 = vector.shape_cast %get3A_9 : vector<1x512xf32> to vector<512xf32>
    %get3A_11 = arith.constant 0 : index
    %get3A_12 = arith.constant 0 : index
    %get3A_13 = vector.load %arg2[%get3A_11, %get3A_12] : memref<2048x1xf32, #tpu.memory_space<vmem>>, vector<2048x1xf32>
    %broadcast_in_dim3A = vector.shape_cast %get3A_10 : vector<512xf32> to vector<1x512xf32>
    %add3A = vector.broadcast %get3A_13 : vector<2048x1xf32> to vector<2048x512xf32>
    %add3A_14 = vector.broadcast %broadcast_in_dim3A : vector<1x512xf32> to vector<2048x512xf32>
    %add3A_15 = arith.addf %add3A, %add3A_14 : vector<2048x512xf32>
    %mul3A_16 = arith.constant 2.000000e+00 : f32
    %mul3A_17 = vector.broadcast %mul3A_16 : f32 to vector<2048x512xf32>
    %mul3A_18 = arith.mulf %mul3A_17, %dot_general3A_5 : vector<2048x512xf32>
    %sub3A = arith.subf %add3A_15, %mul3A_18 : vector<2048x512xf32>
    %reduce_min3A = arith.constant dense<0x7F800000> : vector<2048xf32>
    %reduce_min3A_19 = vector.multi_reduction <minimumf>, %sub3A, %reduce_min3A [1] : vector<2048x512xf32> to vector<2048xf32>
    %broadcast_in_dim3A_20 = vector.shape_cast %reduce_min3A_19 : vector<2048xf32> to vector<2048x1xf32>
    %iota3A = tpu.iota {dimensions = array<i32: 1>} : vector<2048x512xi32>
    %eq3A = vector.broadcast %broadcast_in_dim3A_20 : vector<2048x1xf32> to vector<2048x512xf32>
    %eq3A_21 = arith.cmpf oeq, %sub3A, %eq3A : vector<2048x512xf32>
    %jit3A = arith.constant 1073741824 : i32
    %broadcast_in_dim3A_22 = vector.broadcast %jit3A : i32 to vector<2048x512xi32>
    %select_n3A = arith.select %eq3A_21, %iota3A, %broadcast_in_dim3A_22 : vector<2048x512xi1>, vector<2048x512xi32>
    %reduce_min3A_23 = arith.constant dense<2147483647> : vector<2048xi32>
    %reduce_min3A_24 = vector.multi_reduction <minsi>, %select_n3A, %reduce_min3A_23 [1] : vector<2048x512xi32> to vector<2048xi32>
    %broadcast_in_dim3A_25 = vector.shape_cast %reduce_min3A_24 : vector<2048xi32> to vector<2048x1xi32>
    %mul3A_26 = arith.constant 512 : i32
    %mul3A_27 = arith.muli %arg0, %mul3A_26 : i32
    %add3A_28 = vector.broadcast %mul3A_27 : i32 to vector<2048x1xi32>
    %add3A_29 = arith.addi %broadcast_in_dim3A_25, %add3A_28 : vector<2048x1xi32>
    %eq3A_30 = arith.constant 0 : i32
    %eq3A_31 = arith.cmpi eq, %arg0, %eq3A_30 : i32
    %convert_element_type3A = arith.extui %eq3A_31 : i1 to i32
    %cond3A = arith.constant 0 : i32
    %cond3A_32 = arith.cmpi ne, %convert_element_type3A, %cond3A : i32
    scf.if %cond3A_32 {
      %swap3A = arith.constant 0 : index
      %swap3A_37 = arith.constant 0 : index
      %swap3A_38 = vector.load %arg6[%swap3A, %swap3A_37] : memref<2048x1xf32, #tpu.memory_space<vmem>>, vector<2048x1xf32>
      tpu.vector_store %arg6[%swap3A, %swap3A_37], %broadcast_in_dim3A_20 {strides = array<i32>} : memref<2048x1xf32, #tpu.memory_space<vmem>>, vector<2048x1xf32>,
      %swap3A_39 = arith.constant 0 : index
      %swap3A_40 = arith.constant 0 : index
      %swap3A_41 = vector.load %arg5[%swap3A_39, %swap3A_40] : memref<2048x1xi32, #tpu.memory_space<vmem>>, vector<2048x1xi32>
      tpu.vector_store %arg5[%swap3A_39, %swap3A_40], %add3A_29 {strides = array<i32>} : memref<2048x1xi32, #tpu.memory_space<vmem>>, vector<2048x1xi32>,
    } else {
    }
    %gt3A = arith.constant 0 : i32
    %gt3A_33 = arith.cmpi sgt, %arg0, %gt3A : i32
    %convert_element_type3A_34 = arith.extui %gt3A_33 : i1 to i32
    %cond3A_35 = arith.constant 0 : i32
    %cond3A_36 = arith.cmpi ne, %convert_element_type3A_34, %cond3A_35 : i32
    scf.if %cond3A_36 {
      %get3A_37 = arith.constant 0 : index
      %get3A_38 = arith.constant 0 : index
      %get3A_39 = vector.load %arg6[%get3A_37, %get3A_38] : memref<2048x1xf32, #tpu.memory_space<vmem>>, vector<2048x1xf32>
      %lt3A = arith.cmpf olt, %broadcast_in_dim3A_20, %get3A_39 : vector<2048x1xf32>
      %get3A_40 = arith.constant 0 : index
      %get3A_41 = arith.constant 0 : index
      %get3A_42 = vector.load %arg5[%get3A_40, %get3A_41] : memref<2048x1xi32, #tpu.memory_space<vmem>>, vector<2048x1xi32>
      %select_n3A_43 = arith.select %lt3A, %add3A_29, %get3A_42 : vector<2048x1xi1>, vector<2048x1xi32>
      %swap3A = arith.constant 0 : index
      %swap3A_44 = arith.constant 0 : index
      %swap3A_45 = vector.load %arg5[%swap3A, %swap3A_44] : memref<2048x1xi32, #tpu.memory_space<vmem>>, vector<2048x1xi32>
      tpu.vector_store %arg5[%swap3A, %swap3A_44], %select_n3A_43 {strides = array<i32>} : memref<2048x1xi32, #tpu.memory_space<vmem>>, vector<2048x1xi32>,
      %get3A_46 = arith.constant 0 : index
      %get3A_47 = arith.constant 0 : index
      %get3A_48 = vector.load %arg6[%get3A_46, %get3A_47] : memref<2048x1xf32, #tpu.memory_space<vmem>>, vector<2048x1xf32>
      %select_n3A_49 = arith.select %lt3A, %broadcast_in_dim3A_20, %get3A_48 : vector<2048x1xi1>, vector<2048x1xf32>
      %swap3A_50 = arith.constant 0 : index
      %swap3A_51 = arith.constant 0 : index
      %swap3A_52 = vector.load %arg6[%swap3A_50, %swap3A_51] : memref<2048x1xf32, #tpu.memory_space<vmem>>, vector<2048x1xf32>
      tpu.vector_store %arg6[%swap3A_50, %swap3A_51], %select_n3A_49 {strides = array<i32>} : memref<2048x1xf32, #tpu.memory_space<vmem>>, vector<2048x1xf32>,
    } else {
    }
    return
  }
  func.func @transform_0(%arg0: i32) -> (i32, i32) {
    %c0_i32 = arith.constant 0 : i32
    %c0_i32_0 = arith.constant 0 : i32
    %c0_i32_1 = arith.constant 0 : i32
    return %c0_i32, %c0_i32_0 : i32, i32
  }
  func.func @transform_1(%arg0: i32) -> (i32, i32) {
    %c0_i32 = arith.constant 0 : i32
    %c0_i32_0 = arith.constant 0 : i32
    %c0_i32_1 = arith.constant 0 : i32
    return %c0_i32, %c0_i32_0 : i32, i32
  }
  func.func @transform_2(%arg0: i32) -> (i32, i32) {
    %c0_i32 = arith.constant 0 : i32
    %c0_i32_0 = arith.constant 0 : i32
    %c0_i32_1 = arith.constant 0 : i32
    return %c0_i32, %c0_i32_0 : i32, i32
  }
  func.func @transform_3(%arg0: i32) -> (i32, i32) {
    %c0_i32 = arith.constant 0 : i32
    %c0_i32_0 = arith.constant 0 : i32
    return %arg0, %c0_i32 : i32, i32
  }
  func.func @transform_4(%arg0: i32) -> (i32, i32) {
    %c0_i32 = arith.constant 0 : i32
    %c0_i32_0 = arith.constant 0 : i32
    %c0_i32_1 = arith.constant 0 : i32
    return %c0_i32, %c0_i32_0 : i32, i32
  }
}

module attributes {stable_mosaic.version = 14 : i64} {
  func.func @_finalize_body(%arg0: i32, %arg1: memref<256x256xf32, #tpu.memory_space<vmem>>, %arg2: memref<256x256xf32, #tpu.memory_space<vmem>>, %arg3: memref<1x1x256xi32, #tpu.memory_space<vmem>>, %arg4: memref<8x1x256xi32, #tpu.memory_space<vmem>>, %arg5: memref<256x256xf32, #tpu.memory_space<vmem>>, %arg6: memref<1x1xf32, #tpu.memory_space<smem>>, %arg7: memref<1x1xf32, #tpu.memory_space<smem>>) attributes {dimension_semantics = [#tpu.dimension_semantics<arbitrary>], iteration_bounds = array<i64: 8>, scalar_prefetch = 0 : i64, scratch_operands = 0 : i64, tpu.core_type = #tpu.core_type<tc>, window_params = [{transform_indices = @transform_0, window_bounds = array<i64: 256, 256>}, {transform_indices = @transform_1, window_bounds = array<i64: 256, 256>}, {transform_indices = @transform_2, window_bounds = array<i64: 1, 1, 256>}, {pipeline_mode = #tpu.pipeline_mode<synchronous>, transform_indices = @transform_3, window_bounds = array<i64: 8, 1, 256>}, {transform_indices = @transform_4, window_bounds = array<i64: 256, 256>}, {transform_indices = @transform_5, window_bounds = array<i64: 1, 1>}, {transform_indices = @transform_6, window_bounds = array<i64: 1, 1>}]} {
    %get3A = arith.constant 0 : index
    %get3A_0 = arith.constant 0 : index
    %get3A_1 = vector.load %arg1[%get3A, %get3A_0] : memref<256x256xf32, #tpu.memory_space<vmem>>, vector<256x256xf32>
    %get3A_2 = arith.constant 0 : index
    %get3A_3 = arith.constant 0 : index
    %get3A_4 = vector.load %arg2[%get3A_2, %get3A_3] : memref<256x256xf32, #tpu.memory_space<vmem>>, vector<256x256xf32>
    %mul3A = arith.mulf %get3A_1, %get3A_1 : vector<256x256xf32>
    %reduce_sum3A = arith.constant dense<0.000000e+00> : vector<256xf32>
    %reduce_sum3A_5 = vector.multi_reduction <add>, %mul3A, %reduce_sum3A [1] : vector<256x256xf32> to vector<256xf32>
    %broadcast_in_dim3A = vector.shape_cast %reduce_sum3A_5 : vector<256xf32> to vector<256x1xf32>
    %sqrt3A = math.sqrt %broadcast_in_dim3A : vector<256x1xf32>
    %max3A = arith.constant 9.99999996E-13 : f32
    %max3A_6 = vector.broadcast %max3A : f32 to vector<256x1xf32>
    %max3A_7 = arith.maximumf %sqrt3A, %max3A_6 : vector<256x1xf32>
    %div3A = vector.broadcast %max3A_7 : vector<256x1xf32> to vector<256x256xf32>
    %div3A_8 = arith.divf %get3A_1, %div3A : vector<256x256xf32>
    %mul3A_9 = arith.mulf %get3A_4, %get3A_4 : vector<256x256xf32>
    %reduce_sum3A_10 = arith.constant dense<0.000000e+00> : vector<256xf32>
    %reduce_sum3A_11 = vector.multi_reduction <add>, %mul3A_9, %reduce_sum3A_10 [1] : vector<256x256xf32> to vector<256xf32>
    %broadcast_in_dim3A_12 = vector.shape_cast %reduce_sum3A_11 : vector<256xf32> to vector<256x1xf32>
    %sqrt3A_13 = math.sqrt %broadcast_in_dim3A_12 : vector<256x1xf32>
    %max3A_14 = arith.constant 9.99999996E-13 : f32
    %max3A_15 = vector.broadcast %max3A_14 : f32 to vector<256x1xf32>
    %max3A_16 = arith.maximumf %sqrt3A_13, %max3A_15 : vector<256x1xf32>
    %div3A_17 = vector.broadcast %max3A_16 : vector<256x1xf32> to vector<256x256xf32>
    %div3A_18 = arith.divf %get3A_4, %div3A_17 : vector<256x256xf32>
    %sub3A = arith.subf %div3A_8, %div3A_18 : vector<256x256xf32>
    %mul3A_19 = arith.mulf %sub3A, %sub3A : vector<256x256xf32>
    %reduce_sum3A_20 = arith.constant dense<0.000000e+00> : vector<256xf32>
    %reduce_sum3A_21 = vector.multi_reduction <add>, %mul3A_19, %reduce_sum3A_20 [1] : vector<256x256xf32> to vector<256xf32>
    %broadcast_in_dim3A_22 = vector.shape_cast %reduce_sum3A_21 : vector<256xf32> to vector<256x1xf32>
    %sqrt3A_23 = math.sqrt %broadcast_in_dim3A_22 : vector<256x1xf32>
    %gt3A = arith.constant 9.99999974E-6 : f32
    %gt3A_24 = vector.broadcast %gt3A : f32 to vector<256x1xf32>
    %gt3A_25 = arith.cmpf ogt, %sqrt3A_23, %gt3A_24 : vector<256x1xf32>
    %convert_element_type3A = arith.extui %gt3A_25 : vector<256x1xi1> to vector<256x1xi32>
    %convert_element_type3A_26 = arith.sitofp %convert_element_type3A : vector<256x1xi32> to vector<256x1xf32>
    %mul3A_27 = vector.broadcast %convert_element_type3A_26 : vector<256x1xf32> to vector<256x256xf32>
    %mul3A_28 = arith.mulf %mul3A_27, %sub3A : vector<256x256xf32>
    %add3A = arith.constant 9.99999993E-9 : f32
    %add3A_29 = vector.broadcast %add3A : f32 to vector<256x1xf32>
    %add3A_30 = arith.addf %sqrt3A_23, %add3A_29 : vector<256x1xf32>
    %div3A_31 = vector.broadcast %add3A_30 : vector<256x1xf32> to vector<256x256xf32>
    %div3A_32 = arith.divf %mul3A_28, %div3A_31 : vector<256x256xf32>
    %sub3A_33 = arith.constant 1.000000e+00 : f32
    %sub3A_34 = vector.broadcast %sub3A_33 : f32 to vector<256x1xf32>
    %sub3A_35 = arith.subf %sub3A_34, %convert_element_type3A_26 : vector<256x1xf32>
    %mul3A_36 = vector.broadcast %sub3A_35 : vector<256x1xf32> to vector<256x256xf32>
    %mul3A_37 = arith.mulf %mul3A_36, %sub3A : vector<256x256xf32>
    %add3A_38 = arith.addf %div3A_32, %mul3A_37 : vector<256x256xf32>
    %mul3A_39 = arith.mulf %add3A_38, %get3A_1 : vector<256x256xf32>
    %reduce_sum3A_40 = arith.constant dense<0.000000e+00> : vector<256xf32>
    %reduce_sum3A_41 = vector.multi_reduction <add>, %mul3A_39, %reduce_sum3A_40 [1] : vector<256x256xf32> to vector<256xf32>
    %broadcast_in_dim3A_42 = vector.shape_cast %reduce_sum3A_41 : vector<256xf32> to vector<256x1xf32>
    %mul3A_43 = arith.constant 2.000000e+00 : f32
    %mul3A_44 = vector.broadcast %mul3A_43 : f32 to vector<256x256xf32>
    %mul3A_45 = arith.mulf %mul3A_44, %add3A_38 : vector<256x256xf32>
    %mul3A_46 = vector.broadcast %broadcast_in_dim3A_42 : vector<256x1xf32> to vector<256x256xf32>
    %mul3A_47 = arith.mulf %mul3A_45, %mul3A_46 : vector<256x256xf32>
    %sub3A_48 = arith.subf %get3A_1, %mul3A_47 : vector<256x256xf32>
    %swap3A = arith.constant 0 : index
    %swap3A_49 = arith.constant 0 : index
    %swap3A_50 = vector.load %arg5[%swap3A, %swap3A_49] : memref<256x256xf32, #tpu.memory_space<vmem>>, vector<256x256xf32>
    tpu.vector_store %arg5[%swap3A, %swap3A_49], %sub3A_48 {strides = array<i32>} : memref<256x256xf32, #tpu.memory_space<vmem>>, vector<256x256xf32>,
    %sub3A_51 = arith.subf %sub3A_48, %get3A_1 : vector<256x256xf32>
    %integer_pow3A = arith.mulf %sub3A_51, %sub3A_51 : vector<256x256xf32>
    %reduce_sum3A_52 = vector.shape_cast %integer_pow3A : vector<256x256xf32> to vector<1x256x256xf32>
    %reduce_sum3A_53 = arith.constant dense<0.000000e+00> : vector<1xf32>
    %reduce_sum3A_54 = vector.multi_reduction <add>, %reduce_sum3A_52, %reduce_sum3A_53 [1, 2] : vector<1x256x256xf32> to vector<1xf32>
    %reduce_sum3A_55 = vector.shape_cast %reduce_sum3A_54 : vector<1xf32> to vector<1x1x1xf32>
    %reduce_sum3A_56 = vector.extract %reduce_sum3A_55[0, 0, 0] : f32 from vector<1x1x1xf32>
    %get3A_57 = arith.constant 0 : index
    %get3A_58 = arith.constant 0 : index
    %get3A_59 = arith.constant 0 : index
    %get3A_60 = vector.load %arg3[%get3A_57, %get3A_58, %get3A_59] : memref<1x1x256xi32, #tpu.memory_space<vmem>>, vector<1x1x256xi32>
    %get3A_61 = vector.shape_cast %get3A_60 : vector<1x1x256xi32> to vector<256xi32>
    %broadcast_in_dim3A_62 = arith.constant 0.000000e+00 : f32
    %broadcast_in_dim3A_63 = vector.broadcast %broadcast_in_dim3A_62 : f32 to vector<256xf32>
    %get3A_64 = arith.constant 0 : index
    %get3A_65 = arith.constant 0 : index
    %get3A_66 = arith.constant 0 : index
    %get3A_67 = vector.load %arg4[%get3A_64, %get3A_65, %get3A_66] : memref<8x1x256xi32, #tpu.memory_space<vmem>>, vector<1x1x256xi32>
    %get3A_68 = vector.shape_cast %get3A_67 : vector<1x1x256xi32> to vector<256xi32>
    %broadcast_in_dim3A_69 = vector.shape_cast %get3A_61 : vector<256xi32> to vector<256x1xi32>
    %broadcast_in_dim3A_70 = vector.shape_cast %get3A_68 : vector<256xi32> to vector<1x256xi32>
    %eq3A = vector.broadcast %broadcast_in_dim3A_69 : vector<256x1xi32> to vector<256x256xi32>
    %eq3A_71 = vector.broadcast %broadcast_in_dim3A_70 : vector<1x256xi32> to vector<256x256xi32>
    %eq3A_72 = arith.cmpi eq, %eq3A, %eq3A_71 : vector<256x256xi32>
    %convert_element_type3A_73 = arith.extui %eq3A_72 : vector<256x256xi1> to vector<256x256xi32>
    %convert_element_type3A_74 = arith.sitofp %convert_element_type3A_73 : vector<256x256xi32> to vector<256x256xf32>
    %reduce_sum3A_75 = arith.constant dense<0.000000e+00> : vector<256xf32>
    %reduce_sum3A_76 = vector.multi_reduction <add>, %convert_element_type3A_74, %reduce_sum3A_75 [1] : vector<256x256xf32> to vector<256xf32>
    %add3A_77 = arith.addf %broadcast_in_dim3A_63, %reduce_sum3A_76 : vector<256xf32>
    %get3A_78 = arith.constant 1 : index
    %get3A_79 = arith.constant 0 : index
    %get3A_80 = arith.constant 0 : index
    %get3A_81 = vector.load %arg4[%get3A_78, %get3A_79, %get3A_80] : memref<8x1x256xi32, #tpu.memory_space<vmem>>, vector<1x1x256xi32>
    %get3A_82 = vector.shape_cast %get3A_81 : vector<1x1x256xi32> to vector<256xi32>
    %broadcast_in_dim3A_83 = vector.shape_cast %get3A_61 : vector<256xi32> to vector<256x1xi32>
    %broadcast_in_dim3A_84 = vector.shape_cast %get3A_82 : vector<256xi32> to vector<1x256xi32>
    %eq3A_85 = vector.broadcast %broadcast_in_dim3A_83 : vector<256x1xi32> to vector<256x256xi32>
    %eq3A_86 = vector.broadcast %broadcast_in_dim3A_84 : vector<1x256xi32> to vector<256x256xi32>
    %eq3A_87 = arith.cmpi eq, %eq3A_85, %eq3A_86 : vector<256x256xi32>
    %convert_element_type3A_88 = arith.extui %eq3A_87 : vector<256x256xi1> to vector<256x256xi32>
    %convert_element_type3A_89 = arith.sitofp %convert_element_type3A_88 : vector<256x256xi32> to vector<256x256xf32>
    %reduce_sum3A_90 = arith.constant dense<0.000000e+00> : vector<256xf32>
    %reduce_sum3A_91 = vector.multi_reduction <add>, %convert_element_type3A_89, %reduce_sum3A_90 [1] : vector<256x256xf32> to vector<256xf32>
    %add3A_92 = arith.addf %add3A_77, %reduce_sum3A_91 : vector<256xf32>
    %get3A_93 = arith.constant 2 : index
    %get3A_94 = arith.constant 0 : index
    %get3A_95 = arith.constant 0 : index
    %get3A_96 = vector.load %arg4[%get3A_93, %get3A_94, %get3A_95] : memref<8x1x256xi32, #tpu.memory_space<vmem>>, vector<1x1x256xi32>
    %get3A_97 = vector.shape_cast %get3A_96 : vector<1x1x256xi32> to vector<256xi32>
    %broadcast_in_dim3A_98 = vector.shape_cast %get3A_61 : vector<256xi32> to vector<256x1xi32>
    %broadcast_in_dim3A_99 = vector.shape_cast %get3A_97 : vector<256xi32> to vector<1x256xi32>
    %eq3A_100 = vector.broadcast %broadcast_in_dim3A_98 : vector<256x1xi32> to vector<256x256xi32>
    %eq3A_101 = vector.broadcast %broadcast_in_dim3A_99 : vector<1x256xi32> to vector<256x256xi32>
    %eq3A_102 = arith.cmpi eq, %eq3A_100, %eq3A_101 : vector<256x256xi32>
    %convert_element_type3A_103 = arith.extui %eq3A_102 : vector<256x256xi1> to vector<256x256xi32>
    %convert_element_type3A_104 = arith.sitofp %convert_element_type3A_103 : vector<256x256xi32> to vector<256x256xf32>
    %reduce_sum3A_105 = arith.constant dense<0.000000e+00> : vector<256xf32>
    %reduce_sum3A_106 = vector.multi_reduction <add>, %convert_element_type3A_104, %reduce_sum3A_105 [1] : vector<256x256xf32> to vector<256xf32>
    %add3A_107 = arith.addf %add3A_92, %reduce_sum3A_106 : vector<256xf32>
    %get3A_108 = arith.constant 3 : index
    %get3A_109 = arith.constant 0 : index
    %get3A_110 = arith.constant 0 : index
    %get3A_111 = vector.load %arg4[%get3A_108, %get3A_109, %get3A_110] : memref<8x1x256xi32, #tpu.memory_space<vmem>>, vector<1x1x256xi32>
    %get3A_112 = vector.shape_cast %get3A_111 : vector<1x1x256xi32> to vector<256xi32>
    %broadcast_in_dim3A_113 = vector.shape_cast %get3A_61 : vector<256xi32> to vector<256x1xi32>
    %broadcast_in_dim3A_114 = vector.shape_cast %get3A_112 : vector<256xi32> to vector<1x256xi32>
    %eq3A_115 = vector.broadcast %broadcast_in_dim3A_113 : vector<256x1xi32> to vector<256x256xi32>
    %eq3A_116 = vector.broadcast %broadcast_in_dim3A_114 : vector<1x256xi32> to vector<256x256xi32>
    %eq3A_117 = arith.cmpi eq, %eq3A_115, %eq3A_116 : vector<256x256xi32>
    %convert_element_type3A_118 = arith.extui %eq3A_117 : vector<256x256xi1> to vector<256x256xi32>
    %convert_element_type3A_119 = arith.sitofp %convert_element_type3A_118 : vector<256x256xi32> to vector<256x256xf32>
    %reduce_sum3A_120 = arith.constant dense<0.000000e+00> : vector<256xf32>
    %reduce_sum3A_121 = vector.multi_reduction <add>, %convert_element_type3A_119, %reduce_sum3A_120 [1] : vector<256x256xf32> to vector<256xf32>
    %add3A_122 = arith.addf %add3A_107, %reduce_sum3A_121 : vector<256xf32>
    %get3A_123 = arith.constant 4 : index
    %get3A_124 = arith.constant 0 : index
    %get3A_125 = arith.constant 0 : index
    %get3A_126 = vector.load %arg4[%get3A_123, %get3A_124, %get3A_125] : memref<8x1x256xi32, #tpu.memory_space<vmem>>, vector<1x1x256xi32>
    %get3A_127 = vector.shape_cast %get3A_126 : vector<1x1x256xi32> to vector<256xi32>
    %broadcast_in_dim3A_128 = vector.shape_cast %get3A_61 : vector<256xi32> to vector<256x1xi32>
    %broadcast_in_dim3A_129 = vector.shape_cast %get3A_127 : vector<256xi32> to vector<1x256xi32>
    %eq3A_130 = vector.broadcast %broadcast_in_dim3A_128 : vector<256x1xi32> to vector<256x256xi32>
    %eq3A_131 = vector.broadcast %broadcast_in_dim3A_129 : vector<1x256xi32> to vector<256x256xi32>
    %eq3A_132 = arith.cmpi eq, %eq3A_130, %eq3A_131 : vector<256x256xi32>
    %convert_element_type3A_133 = arith.extui %eq3A_132 : vector<256x256xi1> to vector<256x256xi32>
    %convert_element_type3A_134 = arith.sitofp %convert_element_type3A_133 : vector<256x256xi32> to vector<256x256xf32>
    %reduce_sum3A_135 = arith.constant dense<0.000000e+00> : vector<256xf32>
    %reduce_sum3A_136 = vector.multi_reduction <add>, %convert_element_type3A_134, %reduce_sum3A_135 [1] : vector<256x256xf32> to vector<256xf32>
    %add3A_137 = arith.addf %add3A_122, %reduce_sum3A_136 : vector<256xf32>
    %get3A_138 = arith.constant 5 : index
    %get3A_139 = arith.constant 0 : index
    %get3A_140 = arith.constant 0 : index
    %get3A_141 = vector.load %arg4[%get3A_138, %get3A_139, %get3A_140] : memref<8x1x256xi32, #tpu.memory_space<vmem>>, vector<1x1x256xi32>
    %get3A_142 = vector.shape_cast %get3A_141 : vector<1x1x256xi32> to vector<256xi32>
    %broadcast_in_dim3A_143 = vector.shape_cast %get3A_61 : vector<256xi32> to vector<256x1xi32>
    %broadcast_in_dim3A_144 = vector.shape_cast %get3A_142 : vector<256xi32> to vector<1x256xi32>
    %eq3A_145 = vector.broadcast %broadcast_in_dim3A_143 : vector<256x1xi32> to vector<256x256xi32>
    %eq3A_146 = vector.broadcast %broadcast_in_dim3A_144 : vector<1x256xi32> to vector<256x256xi32>
    %eq3A_147 = arith.cmpi eq, %eq3A_145, %eq3A_146 : vector<256x256xi32>
    %convert_element_type3A_148 = arith.extui %eq3A_147 : vector<256x256xi1> to vector<256x256xi32>
    %convert_element_type3A_149 = arith.sitofp %convert_element_type3A_148 : vector<256x256xi32> to vector<256x256xf32>
    %reduce_sum3A_150 = arith.constant dense<0.000000e+00> : vector<256xf32>
    %reduce_sum3A_151 = vector.multi_reduction <add>, %convert_element_type3A_149, %reduce_sum3A_150 [1] : vector<256x256xf32> to vector<256xf32>
    %add3A_152 = arith.addf %add3A_137, %reduce_sum3A_151 : vector<256xf32>
    %get3A_153 = arith.constant 6 : index
    %get3A_154 = arith.constant 0 : index
    %get3A_155 = arith.constant 0 : index
    %get3A_156 = vector.load %arg4[%get3A_153, %get3A_154, %get3A_155] : memref<8x1x256xi32, #tpu.memory_space<vmem>>, vector<1x1x256xi32>
    %get3A_157 = vector.shape_cast %get3A_156 : vector<1x1x256xi32> to vector<256xi32>
    %broadcast_in_dim3A_158 = vector.shape_cast %get3A_61 : vector<256xi32> to vector<256x1xi32>
    %broadcast_in_dim3A_159 = vector.shape_cast %get3A_157 : vector<256xi32> to vector<1x256xi32>
    %eq3A_160 = vector.broadcast %broadcast_in_dim3A_158 : vector<256x1xi32> to vector<256x256xi32>
    %eq3A_161 = vector.broadcast %broadcast_in_dim3A_159 : vector<1x256xi32> to vector<256x256xi32>
    %eq3A_162 = arith.cmpi eq, %eq3A_160, %eq3A_161 : vector<256x256xi32>
    %convert_element_type3A_163 = arith.extui %eq3A_162 : vector<256x256xi1> to vector<256x256xi32>
    %convert_element_type3A_164 = arith.sitofp %convert_element_type3A_163 : vector<256x256xi32> to vector<256x256xf32>
    %reduce_sum3A_165 = arith.constant dense<0.000000e+00> : vector<256xf32>
    %reduce_sum3A_166 = vector.multi_reduction <add>, %convert_element_type3A_164, %reduce_sum3A_165 [1] : vector<256x256xf32> to vector<256xf32>
    %add3A_167 = arith.addf %add3A_152, %reduce_sum3A_166 : vector<256xf32>
    %get3A_168 = arith.constant 7 : index
    %get3A_169 = arith.constant 0 : index
    %get3A_170 = arith.constant 0 : index
    %get3A_171 = vector.load %arg4[%get3A_168, %get3A_169, %get3A_170] : memref<8x1x256xi32, #tpu.memory_space<vmem>>, vector<1x1x256xi32>
    %get3A_172 = vector.shape_cast %get3A_171 : vector<1x1x256xi32> to vector<256xi32>
    %broadcast_in_dim3A_173 = vector.shape_cast %get3A_61 : vector<256xi32> to vector<256x1xi32>
    %broadcast_in_dim3A_174 = vector.shape_cast %get3A_172 : vector<256xi32> to vector<1x256xi32>
    %eq3A_175 = vector.broadcast %broadcast_in_dim3A_173 : vector<256x1xi32> to vector<256x256xi32>
    %eq3A_176 = vector.broadcast %broadcast_in_dim3A_174 : vector<1x256xi32> to vector<256x256xi32>
    %eq3A_177 = arith.cmpi eq, %eq3A_175, %eq3A_176 : vector<256x256xi32>
    %convert_element_type3A_178 = arith.extui %eq3A_177 : vector<256x256xi1> to vector<256x256xi32>
    %convert_element_type3A_179 = arith.sitofp %convert_element_type3A_178 : vector<256x256xi32> to vector<256x256xf32>
    %reduce_sum3A_180 = arith.constant dense<0.000000e+00> : vector<256xf32>
    %reduce_sum3A_181 = vector.multi_reduction <add>, %convert_element_type3A_179, %reduce_sum3A_180 [1] : vector<256x256xf32> to vector<256xf32>
    %add3A_182 = arith.addf %add3A_167, %reduce_sum3A_181 : vector<256xf32>
    %mul3A_183 = arith.constant 4.8828125E-4 : f32
    %mul3A_184 = vector.broadcast %mul3A_183 : f32 to vector<256xf32>
    %mul3A_185 = arith.mulf %add3A_182, %mul3A_184 : vector<256xf32>
    %add3A_186 = arith.constant 1.000000e-10 : f32
    %add3A_187 = vector.broadcast %add3A_186 : f32 to vector<256xf32>
    %add3A_188 = arith.addf %mul3A_185, %add3A_187 : vector<256xf32>
    %log3A = math.log %add3A_188 : vector<256xf32>
    %reduce_sum3A_189 = vector.shape_cast %log3A : vector<256xf32> to vector<1x256xf32>
    %reduce_sum3A_190 = arith.constant dense<0.000000e+00> : vector<1xf32>
    %reduce_sum3A_191 = vector.multi_reduction <add>, %reduce_sum3A_189, %reduce_sum3A_190 [1] : vector<1x256xf32> to vector<1xf32>
    %reduce_sum3A_192 = vector.shape_cast %reduce_sum3A_191 : vector<1xf32> to vector<1x1xf32>
    %reduce_sum3A_193 = vector.extract %reduce_sum3A_192[0, 0] : f32 from vector<1x1xf32>
    %mul3A_194 = arith.constant 4.8828125E-4 : f32
    %mul3A_195 = arith.mulf %reduce_sum3A_193, %mul3A_194 : f32
    %eq3A_196 = arith.constant 0 : i32
    %eq3A_197 = arith.cmpi eq, %arg0, %eq3A_196 : i32
    %convert_element_type3A_198 = arith.extui %eq3A_197 : i1 to i32
    %cond3A = arith.constant 0 : i32
    %cond3A_199 = arith.cmpi ne, %convert_element_type3A_198, %cond3A : i32
    scf.if %cond3A_199 {
      %swap3A_219 = arith.constant 0.000000e+00 : f32
      %swap3A_220 = arith.constant 0 : index
      %swap3A_221 = arith.constant 0 : index
      %swap3A_222 = memref.load %arg6[%swap3A_220, %swap3A_221] : memref<1x1xf32, #tpu.memory_space<smem>>
      memref.store %swap3A_219, %arg6[%swap3A_220, %swap3A_221] : memref<1x1xf32, #tpu.memory_space<smem>>
      %swap3A_223 = arith.constant 0.000000e+00 : f32
      %swap3A_224 = arith.constant 0 : index
      %swap3A_225 = arith.constant 0 : index
      %swap3A_226 = memref.load %arg7[%swap3A_224, %swap3A_225] : memref<1x1xf32, #tpu.memory_space<smem>>
      memref.store %swap3A_223, %arg7[%swap3A_224, %swap3A_225] : memref<1x1xf32, #tpu.memory_space<smem>>
    } else {
    }
    %get3A_200 = arith.constant 0 : index
    %get3A_201 = arith.constant 0 : index
    %get3A_202 = memref.load %arg6[%get3A_200, %get3A_201] : memref<1x1xf32, #tpu.memory_space<smem>>
    %add3A_203 = arith.addf %get3A_202, %reduce_sum3A_56 : f32
    %swap3A_204 = arith.constant 0 : index
    %swap3A_205 = arith.constant 0 : index
    %swap3A_206 = memref.load %arg6[%swap3A_204, %swap3A_205] : memref<1x1xf32, #tpu.memory_space<smem>>
    memref.store %add3A_203, %arg6[%swap3A_204, %swap3A_205] : memref<1x1xf32, #tpu.memory_space<smem>>
    %get3A_207 = arith.constant 0 : index
    %get3A_208 = arith.constant 0 : index
    %get3A_209 = memref.load %arg7[%get3A_207, %get3A_208] : memref<1x1xf32, #tpu.memory_space<smem>>
    %add3A_210 = arith.addf %get3A_209, %mul3A_195 : f32
    %swap3A_211 = arith.constant 0 : index
    %swap3A_212 = arith.constant 0 : index
    %swap3A_213 = memref.load %arg7[%swap3A_211, %swap3A_212] : memref<1x1xf32, #tpu.memory_space<smem>>
    memref.store %add3A_210, %arg7[%swap3A_211, %swap3A_212] : memref<1x1xf32, #tpu.memory_space<smem>>
    %eq3A_214 = arith.constant 7 : i32
    %eq3A_215 = arith.cmpi eq, %arg0, %eq3A_214 : i32
    %convert_element_type3A_216 = arith.extui %eq3A_215 : i1 to i32
    %cond3A_217 = arith.constant 0 : i32
    %cond3A_218 = arith.cmpi ne, %convert_element_type3A_216, %cond3A_217 : i32
    scf.if %cond3A_218 {
      %get3A_219 = arith.constant 0 : index
      %get3A_220 = arith.constant 0 : index
      %get3A_221 = memref.load %arg6[%get3A_219, %get3A_220] : memref<1x1xf32, #tpu.memory_space<smem>>
      %mul3A_222 = arith.constant 2.38418579E-6 : f32
      %mul3A_223 = arith.mulf %get3A_221, %mul3A_222 : f32
      %swap3A_224 = arith.constant 0 : index
      %swap3A_225 = arith.constant 0 : index
      %swap3A_226 = memref.load %arg6[%swap3A_224, %swap3A_225] : memref<1x1xf32, #tpu.memory_space<smem>>
      memref.store %mul3A_223, %arg6[%swap3A_224, %swap3A_225] : memref<1x1xf32, #tpu.memory_space<smem>>
      %get3A_227 = arith.constant 0 : index
      %get3A_228 = arith.constant 0 : index
      %get3A_229 = memref.load %arg7[%get3A_227, %get3A_228] : memref<1x1xf32, #tpu.memory_space<smem>>
      %neg3A = arith.constant 0.000000e+00 : f32
      %neg3A_230 = arith.subf %neg3A, %get3A_229 : f32
      %exp3A = math.exp %neg3A_230 : f32
      %swap3A_231 = arith.constant 0 : index
      %swap3A_232 = arith.constant 0 : index
      %swap3A_233 = memref.load %arg7[%swap3A_231, %swap3A_232] : memref<1x1xf32, #tpu.memory_space<smem>>
      memref.store %exp3A, %arg7[%swap3A_231, %swap3A_232] : memref<1x1xf32, #tpu.memory_space<smem>>
    } else {
    }
    return
  }
  func.func @transform_0(%arg0: i32) -> (i32, i32) {
    %c0_i32 = arith.constant 0 : i32
    %c0_i32_0 = arith.constant 0 : i32
    return %arg0, %c0_i32 : i32, i32
  }
  func.func @transform_1(%arg0: i32) -> (i32, i32) {
    %c0_i32 = arith.constant 0 : i32
    %c0_i32_0 = arith.constant 0 : i32
    return %arg0, %c0_i32 : i32, i32
  }
  func.func @transform_2(%arg0: i32) -> (i32, i32, i32) {
    %c0_i32 = arith.constant 0 : i32
    %c0_i32_0 = arith.constant 0 : i32
    %c0_i32_1 = arith.constant 0 : i32
    return %arg0, %c0_i32, %c0_i32_0 : i32, i32, i32
  }
  func.func @transform_3(%arg0: i32) -> (i32, i32, i32) {
    %c0_i32 = arith.constant 0 : i32
    %c0_i32_0 = arith.constant 0 : i32
    %c0_i32_1 = arith.constant 0 : i32
    %c0_i32_2 = arith.constant 0 : i32
    return %c0_i32, %c0_i32_0, %c0_i32_1 : i32, i32, i32
  }
  func.func @transform_4(%arg0: i32) -> (i32, i32) {
    %c0_i32 = arith.constant 0 : i32
    %c0_i32_0 = arith.constant 0 : i32
    return %arg0, %c0_i32 : i32, i32
  }
  func.func @transform_5(%arg0: i32) -> (i32, i32) {
    %c0_i32 = arith.constant 0 : i32
    %c0_i32_0 = arith.constant 0 : i32
    %c0_i32_1 = arith.constant 0 : i32
    return %c0_i32, %c0_i32_0 : i32, i32
  }
  func.func @transform_6(%arg0: i32) -> (i32, i32) {
    %c0_i32 = arith.constant 0 : i32
    %c0_i32_0 = arith.constant 0 : i32
    %c0_i32_1 = arith.constant 0 : i32
    return %c0_i32, %c0_i32_0 : i32, i32
  }
}

</mosaic_0001>

<sc_bundles>
// kernel: kernel.5.cloned.1.call-start
scs
__scs_entry_jumppad:
0x0: {  	(pc) =	sbr.rel $0x88, $3  }
0x1: {  	(tag) =	ssettag $0x0;
	lr =	simm.s32 $0x1  }
0x2: {  	[smem:$0x3F9F] =	sst lr;
	_ =	strace $0xD0000000  }
0x3: {  	_ = 	snop  }
0x4: {  	_ = 	snop  }
0x5: {  	_ = 	snop  }
0x6: {  	_ = 	snop  }
0x7: {  	_ = 	snop  }
__scs_overlays_trampoline_lowered:
0x8: {  	[smem:$0x3FAE] =	sst s0  }
0x9: {  	[smem:$0x3FAF] =	sst s1  }
0xa: {  	[smem:$0x3FB0] =	sst s2  }
0xb: {  	[smem:$0x3FB1] =	sst s3  }
0xc: {  	[smem:$0x3FB2] =	sst s4  }
0xd: {  	[smem:$0x3FB3] =	sst s5  }
0xe: {  	[smem:$0x3FB4] =	sst s6  }
0xf: {  	[smem:$0x3FB5] =	sst s7  }
0x10: {  	[smem:$0x3FB6] =	sst s8  }
0x11: {  	[smem:$0x3FB7] =	sst s9;
	s0 =	simm.s32 @!p0 $0x0  }
0x12: {  	s1 =	sld [smem:$0x3F9D];
	s0 =	simm.s32 @p0 $0x1  }
0x13: {  	[smem:$0x3FB8] =	sst s0;
	s0 =	simm.s32 @!p1 $0x0  }
0x14: {  	s2 =	sld [smem:$0x3F9C];
	s0 =	simm.s32 @p1 $0x1  }
0x15: {  	[smem:$0x3FB9] =	sst s0;
	s0 =	simm.s32 @!p2 $0x0  }
0x16: {  	s3 =	sld [smem:$0x3FDB];
	s0 =	simm.s32 @p2 $0x1  }
0x17: {  	s4 =	simm.s32 $0x1BF5;
	[smem:$0x3FBB] =	sst s0  }
0x18: {  	s0 =	sld [smem:$0x3F9E];
	_ =	swait.ge [sflag:s4], $0x0  }
0x19: {  	s7 =	sld [smem:$0x3F9F]  }
0x1a: {  	s8 =	sadd.s32 $0xFFFFE003, lr  }
0x1b: {  	s9 =	sadd.s32 $0xFFFFFEF7, lr;
	s5 =	simm.s32 $0xFFFFFFFF;
	p2 =	slt.u32 s8, $0xFFFFF086  }
0x1c: {  	p1 =	slt.u32 s9, $0xF7A;
	s5 =	simm.s32 @!p2 $0x0  }
0x1d: {  	s5 =	simm.s32 @p1 $0x1;
	p0 =	seq.s32 s7, s2  }
0x1e: {  	s7 =	smul.u32 @!p0 $0xF7A, s2;
	p2 =	seq.s32 @!p0 s5, $0x0  }
0x1f: {  	s9 =	smul.u32 $0xF7A, s1;
	s8 =	simm.s32 @!p0 $0x1BF5;
	p2 =	por !p2, p0  }
0x20: {  	[sflag:s8] =	ssyncset.s32 @!p0 $0xFFFFF086;
	s6 =	sadd.s32 @!p0 s3, s7;
	s7 =	simm.s32 @!p0 $0x108  }
0x21: {  	s3 =	sadd.s32 s3, s9;
	s6 =	sadd.s32 @!p0 $0x88, s6;
	s7 =	simm.s32 @p2 $0x1082  }
0x22: {  	[simem:s7], [sflag:s8] =	dma.local @!p0 [hbm:s6], $0xF7A  }
0x23: {  	s9 =	sor.u32 $0xD0000000, s2;
	s6 =	simm.s32 $0x108;
	_ =	swait.ge @!p0 [sflag:s8], $0x0  }
0x24: {  	s3 =	sadd.s32 $0x88, s3;
	s6 =	simm.s32 @!p1 $0x1082;
	[sflag:s4] =	ssyncset.s32 $0xFFFFF086  }
0x25: {  	[simem:s6], [sflag:s4] =	dma.local [hbm:s3], $0xF7A  }
0x26: {  	[smem:$0x3F9F] =	sst s1;
	(tag) =	ssettag s2;
	_ =	strace s9  }
0x27: {  	s1 =	sld [smem:$0x3FAF]  }
0x28: {  	s2 =	sld [smem:$0x3FB0]  }
0x29: {  	s4 =	sld [smem:$0x3FB2]  }
0x2a: {  	p0 =	seq.s32 s5, $0x0;
	s5 =	sld [smem:$0x3FB3]  }
0x2b: {  	s6 =	sld [smem:$0x3FB4]  }
0x2c: {  	s7 =	sld [smem:$0x3FB5]  }
0x2d: {  	s3 =	simm.s32 $0x108;
	s8 =	sld [smem:$0x3FB6]  }
0x2e: {  	s3 =	simm.s32 @!p0 $0x1082;
	s9 =	sld [smem:$0x3FB7]  }
0x2f: {  	lr =	sadd.s32 s0, s3;
	s0 =	sld [smem:$0x3FAE]  }
0x30: {  	s3 =	sld [smem:$0x3FB1]  }
0x31: {  	[smem:$0x3FBA] =	sst s10  }
0x32: {  	s10 =	sld [smem:$0x3FB8];
	_ =	sdelay $0x3  }
0x33: {  	p0 =	seq.s32 s10, $0x1;
	s10 =	sld [smem:$0x3FBA];
	_ =	sdelay $0x3  }
0x34: {  	[smem:$0x3FBA] =	sst s10  }
0x35: {  	s10 =	sld [smem:$0x3FB9];
	_ =	sdelay $0x3  }
0x36: {  	p1 =	seq.s32 s10, $0x1;
	s10 =	sld [smem:$0x3FBA];
	_ =	sdelay $0x3  }
0x37: {  	[smem:$0x3FBA] =	sst s10  }
0x38: {  	s10 =	sld [smem:$0x3FBB]  }
0x39: {  	_ = 	snop;
	(pc) =	sbr.ind lr, $3  }
0x3a: {  	_ = 	snop  }
0x3b: {  	_ = 	snop  }
0x3c: {  	p2 =	seq.s32 s10, $0x1;
	s10 =	sld [smem:$0x3FBA]  }
0x3d: {  	_ =	shalt  }
0x3e: {  	_ =	shalt  }
0x3f: {  	_ =	shalt  }
0x40: {  	_ =	shalt  }
0x41: {  	_ =	shalt  }
0x42: {  	_ =	shalt  }
0x43: {  	_ =	shalt  }
0x44: {  	_ =	shalt  }
0x45: {  	_ =	shalt  }
0x46: {  	_ =	shalt  }
0x47: {  	_ =	shalt  }
0x48: {  	_ =	shalt  }
0x49: {  	_ =	shalt  }
0x4a: {  	_ =	shalt  }
0x4b: {  	_ =	shalt  }
0x4c: {  	_ =	shalt  }
0x4d: {  	_ =	shalt  }
0x4e: {  	_ =	shalt  }
0x4f: {  	_ =	shalt  }
0x50: {  	_ =	shalt  }
0x51: {  	_ =	shalt  }
0x52: {  	_ =	shalt  }
0x53: {  	_ =	shalt  }
0x54: {  	_ =	shalt  }
0x55: {  	_ =	shalt  }
0x56: {  	_ =	shalt  }
0x57: {  	_ =	shalt  }
0x58: {  	_ =	shalt  }
0x59: {  	_ =	shalt  }
0x5a: {  	_ =	shalt  }
0x5b: {  	_ =	shalt  }
0x5c: {  	_ =	shalt  }
0x5d: {  	_ =	shalt  }
0x5e: {  	_ =	shalt  }
0x5f: {  	_ =	shalt  }
0x60: {  	_ =	shalt  }
0x61: {  	_ =	shalt  }
0x62: {  	_ =	shalt  }
0x63: {  	_ =	shalt  }
0x64: {  	_ =	shalt  }
0x65: {  	_ =	shalt  }
0x66: {  	_ =	shalt  }
0x67: {  	_ =	shalt  }
0x68: {  	_ =	shalt  }
0x69: {  	_ =	shalt  }
0x6a: {  	_ =	shalt  }
0x6b: {  	_ =	shalt  }
0x6c: {  	_ =	shalt  }
0x6d: {  	_ =	shalt  }
0x6e: {  	_ =	shalt  }
0x6f: {  	_ =	shalt  }
0x70: {  	_ =	shalt  }
0x71: {  	_ =	shalt  }
0x72: {  	_ =	shalt  }
0x73: {  	_ =	shalt  }
0x74: {  	_ =	shalt  }
0x75: {  	_ =	shalt  }
0x76: {  	_ =	shalt  }
0x77: {  	_ =	shalt  }
0x78: {  	_ =	shalt  }
0x79: {  	_ =	shalt  }
0x7a: {  	_ =	shalt  }
0x7b: {  	_ =	shalt  }
0x7c: {  	_ =	shalt  }
0x7d: {  	_ =	shalt  }
0x7e: {  	_ =	shalt  }
0x7f: {  	_ =	shalt  }
0x80: {  	_ =	shalt  }
0x81: {  	_ =	shalt  }
0x82: {  	_ =	shalt  }
0x83: {  	_ =	shalt  }
0x84: {  	_ =	shalt  }
0x85: {  	_ =	shalt  }
0x86: {  	_ =	shalt  }
0x87: {  	_ =	shalt  }
.Lfunc_end0:
.L_simem_size_0:
called_computation_lowered:
.L_overlay_start_0:
0x88: {  	s2 =	sld [smem:$0x3FD9]  }
0x89: {  	s3 =	sld [smem:$0x3FFE];
	_ =	sdelay $0x1  }
0x8a: {  	s1 =	srdreg.scid  }
0x8b: {  	s0 =	sand.u32 $0x1, s1  }
0x8c: {  	s15 =	sshll.u32 s0, $0xA;
	s2 =	sadd.s32 s3, s2  }
0x8d: {  	s2 =	sadd.s32 s2, s15  }
0x8e: {  	[smem:$0x3FC6] =	sst s2  }
0x8f: {  	_ = 	snop  }
0x90: {  	s2 =	sld [smem:$0x3FD0];
	_ =	sdelay $0x2  }
0x91: {  	s4 =	simm.s32 $0xA;
	s5 =	simm.s32 $0x10;
	s16 =	sld [smem:$0x3FC8]  }
0x92: {  	[smem:s5], [sflag:s4] =	dma.local [hbm:s2], $0x1  }
0x93: {  	_ =	swait.eq [sflag:s4], $0x1  }
0x94: {  	[sflag:s4] =	ssyncset.done $0x0  }
0x95: {  	s17 =	sld [smem:$0x10];
	[sflag:s4] =	ssyncadd.s32 $0xFFFFFFFF  }
0x96: {  	s18 =	sld [smem:$0x13];
	(tm) =	ssettm $0x1  }
0x97: {  	s19 =	sld [smem:$0x3FFB];
	_ =	sdelay $0x3  }
0x98: {  	_ =	strace s19  }
0x99: {  	s5 =	sld [smem:$0x3FFC];
	_ =	sdelay $0x3  }
0x9a: {  	_ =	strace s5  }
0x9b: {  	s5 =	sld [smem:$0x3FFD];
	_ =	sdelay $0x3  }
0x9c: {  	_ =	strace s5  }
0x9d: {  	_ =	strace $0x8FFFFFFF  }
0x9e: {  	s20 =	sld [smem:$0x3FDB];
	_ =	sdelay $0x1  }
0x9f: {  	s6 =	simm.s32 $_scs_section_size  }
0xa0: {  	s7 =	simm.s32 $_size__tile_overlayer_lowered;
	s8 =	simm.s32 $_tile_overlayer_lowered  }
0xa1: {  	s23 =	simm.s32 $0x1BFF;
	s22 =	sshll.u32 s8, $0x1;
	s5 =	sadd.s32 s6, s20  }
0xa2: {  	s9 =	simm.s32 $0x0;
	s21 =	sshll.u32 s7, $0x1;
	s7 =	sadd.s32 s22, s5  }
0xa3: {  	[timem:s9], [sflag:s23] =	dma.local [hbm:s7], s21  }
0xa4: {  	_ =	swait.ge [sflag:s23], s21  }
0xa5: {  	s6 =	ssub.s32 $0x0, s21;
	[sflag:s23] =	ssyncset.done $0x0  }
0xa6: {  	[sflag:s23] =	ssyncadd.s32 s6;
	_ =	sdelay $0x1  }
0xa7: {  	s24 =	simm.s32 $0x1B8B  }
0xa8: {  	_ =	swait.ge [sflag:s24], $0x1  }
0xa9: {  	[sflag:s24] =	ssyncset.done $0x0  }
0xaa: {  	s25 =	simm.s32 $0x1B8E;
	[sflag:s24] =	ssyncadd.s32 $0xFFFFFFFF  }
0xab: {  	s26 =	simm.s32 $execute0_lowered;
	[smem:$0x3FD2] =	sst s25  }
0xac: {  	s6 =	sshll.u32 s26, $0x1;
	_ =	strace $0x80000046;
	[dreg:$0x1] =	wrdreg $0xFFFFFFFF  }
0xad: {  	s28 =	simm.s32 $_size_execute0_lowered;
	s5 =	sadd.s32 s5, s6;
	[dreg:$0x0] =	wrdreg $0x0  }
0xae: {  	s6 =	sshll.u32 s28, $0x1;
	[dreg:$0x2] =	wrdreg s5  }
0xaf: {  	[dreg:$0x3] =	wrdreg s6  }
0xb0: {  	[dreg:$0x4] =	wrdreg $0xC0  }
0xb1: {  	_ =	task [dreg:s9], $0x5FFFF  }
0xb2: {  	[dreg:$0x1] =	wrdreg $0xFFFFFFFF  }
0xb3: {  	[dreg:$0x0] =	wrdreg $0x60  }
0xb4: {  	[dreg:$0x2] =	wrdreg s16  }
0xb5: {  	[dreg:$0x3] =	wrdreg s18  }
0xb6: {  	[dreg:$0x4] =	wrdreg s17  }
0xb7: {  	[dreg:$0x5] =	wrdreg $0x9  }
0xb8: {  	_ =	task.clear_ibuf [dreg:s9], $0x6FFFF;
	_ =	strace $0x90000046  }
0xb9: {  	s29 =	simm.s32 $0x9;
	_ =	strace $0x80000048  }
0xba: {  	_ =	swait.ge [sflag:s29], $0x1  }
0xbb: {  	[sflag:s29] =	ssyncadd.s32 $0xFFFFFFFF  }
0xbc: {  	_ =	strace $0x90000048  }
0xbd: {  	_ =	sfence  }
0xbe: {  	s30 =	sld [smem:$0x0];
	_ =	sdelay $0x2  }
0xbf: {  	s31 =	sshll.u32 s1, $0xD;
	s1 =	sshrl.u32 s1, $0x2  }
0xc0: {  	s3 =	sand.u32 $0x4000, s31;
	s1 =	sadd.s32 s1, s30  }
0xc1: {  	s0 =	sor.u32 s3, s0;
	s1 =	sshll.u32 s1, $0x11  }
0xc2: {  	s0 =	sor.u32 s1, s0  }
0xc3: {  	s0 =	sadd.s32 $0x8F2B, s0  }
0xc4: {  	[sflag:s0] =	ssyncadd.remote.s32 $0x1  }
0xc5: {  	_ =	sfence.sel $0xFFFF  }
0xc6: {  	[dreg:$0x0] =	wrdreg $0xFFFFFFFF;
	(pc) =	sbr.abs _section_cstart, $3  }
0xc7: {  	[dreg:$0x1] =	wrdreg $0xFFFFFFFF  }
0xc8: {  	_ =	task.clear_ibuf [dreg:s9], $0x2FFFF;
	_ =	strace $0x9FFFFFFF  }
0xc9: {  	(tm) =	ssettm $0x7FFFFFFF  }
tec
execute0_lowered:
.L_overlay_start_1:
0x0: {  	(tag) =	ssettag $0x1  }
0x1: {  	s1 =	rddreg [dreg:$0x0]  }
0x2: {  	s4 =	rddreg [dreg:$0x1]  }
0x3: {  	s5 =	rddreg [dreg:$0x2];
	s3 =	srdreg.scid  }
0x4: {  	s0 =	rddreg [dreg:$0x3];
	s2 =	stileid.u32;
	s10 =	simm.s32 $0x1080  }
0x5: {  	s11 =	simm.s32 $0x1880;
	s12 =	simm.s32 $0x2080;
	s13 =	simm.s32 $0x2880  }
0x6: {  	s14 =	simm.s32 $0x3080;
	s15 =	simm.s32 $0x3880;
	s16 =	simm.s32 $0x1  }
0x7: {  	s6 =	sand.u32 $0x1, s3;
	s3 =	simm.s32 $0x0;
	s7 =	sshll.u32 s2, $0x7  }
0x8: {  	s8 =	sshll.u32 s6, $0x6;
	[smem:$0x7FF] =	sst s3;
	s6 =	ssub.s32 $0x2, s6  }
0x9: {  	s7 =	sor.u32 s8, s7;
	_ =	strace $0x80000047;
	s31 =	sshrl.u32 s6, $0x1  }
0xa: {  	v2 =	vlaneseq.u32;
	s8 =	simm.s32 $0x80;
	s9 =	sshrl.u32 s7, $0x3;
	s7 =	sshll.u32 s7, $0x5  }
0xb: {  	vm0 =	vmmov $0xffff;
	v1 =	vshrl.u32 v2, $0x3;
	s6 =	ssub.s32 s6, s31;
	s4 =	sadd.s32 s4, s9;
	s5 =	sadd.s32 s5, s7  }
0xc: {  	v0 =	vand.u32 $0x7, v2;
	v2 =	vor.u32 $0x8, v2;
	v1 =	vmul.u32 $0x8, v1;
	s6 =	smax.u32 s6, $0x1;
	s7 =	simm.s32 $0x2;
	s9 =	simm.s32 $0x880  }
.LBB2_1:
0xd: {  	[tilespmem:s3], [sflag:$0x2] =	stream.linear.gather [hbm4b:s4+s3], $0x40, $0x38;
	[tilespmem:$0x4080] =	vst v63  }
0xe: {  	_ =	swait.ge [sflag:s7], $0x40  }
0xf: {  	[sflag:s7] =	ssyncset.done $0x0  }
0x10: {  	[sflag:s7] =	ssyncadd.s32 $0xFFFFFFC0  }
0x11: {  	v3 =	vld [tilespmem:$0x0];
	_ =	sdelay $0x4  }
0x12: {  	v4 =	vshll.u32 v3, $0x1  }
0x13: {  	v3 =	vand.u32 $0x7, v3;
	v4 =	vand.u32 $0xFFFFFFF0, v4  }
0x14: {  	v3 =	vor.u32 v3, v4  }
0x15: {  	v4 =	vperm.xlane v3, v0;
	_ =	sdelay $0x1  }
0x16: {  	v3 =	vperm.xlane v3, v2;
	v4 =	vadd.s32 v1, v4;
	_ =	sdelay $0x1  }
0x17: {  	v3 =	vadd.s32 v1, v3;
	_ =	sdelay $0x2  }
0x18: {  	[tilespmem:s8], [sflag:$0x1] =	stream.indirect_vreg.gather [hbm4b:s1+s3], $0x80, v4, vm0, $0xb8;
	[tilespmem:$0x4080] =	vst v63  }
0x19: {  	_ = 	snop  }
0x1a: {  	[tilespmem:s9], [sflag:$0x1] =	stream.indirect_vreg.gather [hbm4b:s1+s3], $0x80, v3, vm0, $0xb8;
	[tilespmem:$0x4080] =	vst v63  }
0x1b: {  	v3 =	vld [tilespmem:$0x10];
	_ =	sdelay $0x4  }
0x1c: {  	v61 =	vshll.u32 v3, $0x1  }
0x1d: {  	v3 =	vand.u32 $0x7, v3;
	v4 =	vand.u32 $0xFFFFFFF0, v61  }
0x1e: {  	v3 =	vor.u32 v3, v4  }
0x1f: {  	v4 =	vperm.xlane v3, v0;
	_ =	sdelay $0x1  }
0x20: {  	v3 =	vperm.xlane v3, v2;
	v4 =	vadd.s32 v1, v4;
	_ =	sdelay $0x1  }
0x21: {  	v3 =	vadd.s32 v1, v3;
	_ =	sdelay $0x2  }
0x22: {  	[tilespmem:s10], [sflag:$0x1] =	stream.indirect_vreg.gather [hbm4b:s1+s3], $0x80, v4, vm0, $0xb8;
	[tilespmem:$0x4080] =	vst v63  }
0x23: {  	_ = 	snop  }
0x24: {  	[tilespmem:s11], [sflag:$0x1] =	stream.indirect_vreg.gather [hbm4b:s1+s3], $0x80, v3, vm0, $0xb8;
	[tilespmem:$0x4080] =	vst v63  }
0x25: {  	v3 =	vld [tilespmem:$0x20];
	_ =	sdelay $0x4  }
0x26: {  	v62 =	vshll.u32 v3, $0x1  }
0x27: {  	v3 =	vand.u32 $0x7, v3;
	v4 =	vand.u32 $0xFFFFFFF0, v62  }
0x28: {  	v3 =	vor.u32 v3, v4  }
0x29: {  	v4 =	vperm.xlane v3, v0;
	_ =	sdelay $0x1  }
0x2a: {  	v3 =	vperm.xlane v3, v2;
	v4 =	vadd.s32 v1, v4;
	_ =	sdelay $0x1  }
0x2b: {  	v3 =	vadd.s32 v1, v3;
	_ =	sdelay $0x2  }
0x2c: {  	[tilespmem:s12], [sflag:$0x1] =	stream.indirect_vreg.gather [hbm4b:s1+s3], $0x80, v4, vm0, $0xb8;
	[tilespmem:$0x4080] =	vst v63  }
0x2d: {  	_ = 	snop  }
0x2e: {  	[tilespmem:s13], [sflag:$0x1] =	stream.indirect_vreg.gather [hbm4b:s1+s3], $0x80, v3, vm0, $0xb8;
	[tilespmem:$0x4080] =	vst v63  }
0x2f: {  	v3 =	vld [tilespmem:$0x30];
	_ =	sdelay $0x4  }
0x30: {  	v63 =	vshll.u32 v3, $0x1  }
0x31: {  	v3 =	vand.u32 $0x7, v3;
	v4 =	vand.u32 $0xFFFFFFF0, v63  }
0x32: {  	v3 =	vor.u32 v3, v4  }
0x33: {  	v4 =	vperm.xlane v3, v0;
	_ =	sdelay $0x1  }
0x34: {  	v3 =	vperm.xlane v3, v2;
	v4 =	vadd.s32 v1, v4;
	_ =	sdelay $0x1  }
0x35: {  	v3 =	vadd.s32 v1, v3;
	_ =	sdelay $0x2  }
0x36: {  	[tilespmem:s14], [sflag:$0x1] =	stream.indirect_vreg.gather [hbm4b:s1+s3], $0x80, v4, vm0, $0xb8;
	[tilespmem:$0x4080] =	vst v63  }
0x37: {  	_ = 	snop  }
0x38: {  	[tilespmem:s15], [sflag:$0x1] =	stream.indirect_vreg.gather [hbm4b:s1+s3], $0x80, v3, vm0, $0xb8;
	[tilespmem:$0x4080] =	vst v63  }
0x39: {  	_ =	swait.ge [sflag:s16], $0x4000  }
0x3a: {  	p0 =	sne.s32 s6, $0x1;
	[sflag:s16] =	ssyncset.done $0x0  }
.Ltmp0:
0x3b: {  	[sflag:s16] =	ssyncadd.s32 $0xFFFFC000;
	(pc) =	sbr.rel @p0 .LBB2_1-.Ltmp0, $4  }
0x3c: {  	[hbm4b:s5+s3] =	stream.linear.scatter [tilespmem:s8], [sflag:$0x2], $0x4000, $0x38;
	[tilespmem:$0x4080] =	vst v63  }
0x3d: {  	_ =	swait.ge [sflag:s7], $0x4000  }
0x3e: {  	[sflag:s7] =	ssyncset.done $0x0  }
0x3f: {  	s6 =	sadd.s32 $0xFFFFFFFF, s6;
	[sflag:s7] =	ssyncadd.s32 $0xFFFFC000  }
0x40: {  	_ =	sfence.sel $0x180000  }
0x41: {  	[bflag:$0x0] =	sbarrier.arrive $0xFFFF  }
0x42: {  	p0 =	sne.s32 s2, $0x0;
	_ =	strace $0x90000047  }
0x43: {  	s0 =	sadd.s32 @!p0 $0x100000, s0;
	[bflag:$0x2] =	sbarrier.arrive $0xFFFF  }
0x44: {  	[sflag:s0] =	ssyncadd.tile.s32 @!p0 $0x1;
	_ =	shalt  }
.Lfunc_end2:
_tile_overlayer_lowered:
.L_overlay_start_2:
0x45: {  	(tag) =	ssettag $0x2  }
0x46: {  	s0 =	rddreg [dreg:$0x0];
	s2 =	stileid.u32  }
0x47: {  	s1 =	rddreg [dreg:$0x1];
	p0 =	sne.s32 s2, $0x0  }
0x48: {  	s3 =	rddreg [dreg:$0x2];
	[bflag:$0x3] =	sbarrier.arrive $0xFFFF;
	s2 =	simm.s32 @!p0 $0x1C02  }
0x49: {  	[timem:s3], [sflag:s2] =	dma.local @!p0 [hbm:s0], s1  }
0x4a: {  	s0 =	simm.s32 @!p0 $0x2  }
0x4b: {  	_ =	swait.ge @!p0 [sflag:s0], s1  }
0x4c: {  	s1 =	ssub.s32 @!p0 $0x0, s1;
	[sflag:s0] =	ssyncset.done @!p0 $0x0  }
0x4d: {  	[sflag:s0] =	ssyncadd.s32 @!p0 s1  }
0x4e: {  	[bflag:$0x3] =	sbarrier.arrive $0xFFFF  }
0x4f: {  	_ =	shalt  }

</sc_bundles>
